<compile_context>
chip_gen: v7x
topology: tpu7x:2x2x1
jax: 0.10.2.dev20260603
libtpu: 0.0.44.dev20260713+nightly
codegen_flags: <defaults>
</compile_context>

<pallas_src>
import functools

import jax
import jax.numpy as jnp
from jax.experimental import pallas as pl
from jax.experimental.pallas import tpu as pltpu

N = 65536
S = 128
ROWS = 1024


def _roll(x, shift):
    return pltpu.roll(x, shift, 1)


def _body(rays_ref, radii_ref, out_ref, depth_ref, idx_ref, mask_ref):
    rays = rays_ref[...]
    o = rays[:, 0:3]
    d = rays[:, 3:6]
    a = jnp.sum(d * d, axis=1, keepdims=True)
    b = jnp.sum(o * d, axis=1, keepdims=True)
    c0 = jnp.sum(o * o, axis=1, keepdims=True)
    r = radii_ref[...]
    disc = b * b - a * (c0 - r * r)
    sq = jnp.sqrt(jnp.maximum(disc, 0.0))
    t = (sq - b) / a
    x = jnp.abs(t) * jnp.sqrt(a)

    lane = jax.lax.broadcasted_iota(jnp.int32, (ROWS, S), 1)
    for k in (64, 32, 16, 8, 4, 2, 1):
        upper = (lane & k) != 0
        partner = jnp.where(upper, _roll(x, k), _roll(x, S - k))
        x = jnp.where(upper, jnp.maximum(x, partner), jnp.minimum(x, partner))
    depth_ref[...] = x

    r1 = radii_ref[0, 1]
    vals = jnp.concatenate(
        [o / r1, d, jnp.full((ROWS, 1), r1, jnp.float32),
         jnp.zeros((ROWS, 1), jnp.float32)], axis=1)
    hi = vals.astype(jnp.bfloat16)
    lo = (vals - hi.astype(jnp.float32)).astype(jnp.bfloat16)
    mod7 = jax.lax.broadcasted_iota(jnp.int32, (8, S * 7), 1) % 7
    row8 = jax.lax.broadcasted_iota(jnp.int32, (8, S * 7), 0)
    p = (mod7 == row8).astype(jnp.bfloat16)
    out_ref[...] = (
        jnp.dot(hi, p, preferred_element_type=jnp.float32)
        + jnp.dot(lo, p, preferred_element_type=jnp.float32))
    idx_ref[...] = jnp.ones((ROWS, S), jnp.int32)
    mask_ref[...] = jnp.zeros((ROWS, S), jnp.bool_)


@functools.partial(jax.jit, static_argnames=("interpret",))
def kernel(rays, radii, interpret=False):
    radii2d = radii.reshape(1, S)
    grid = (N // ROWS,)
    out, depth, idx, mask = pl.pallas_call(
        _body,
        grid=grid,
        in_specs=[
            pl.BlockSpec((ROWS, 6), lambda i: (i, 0)),
            pl.BlockSpec((1, S), lambda i: (0, 0)),
        ],
        out_specs=[
            pl.BlockSpec((ROWS, S * 7), lambda i: (i, 0)),
            pl.BlockSpec((ROWS, S), lambda i: (i, 0)),
            pl.BlockSpec((ROWS, S), lambda i: (i, 0)),
            pl.BlockSpec((ROWS, S), lambda i: (i, 0)),
        ],
        out_shape=[
            jax.ShapeDtypeStruct((N, S * 7), jnp.float32),
            jax.ShapeDtypeStruct((N, S), jnp.float32),
            jax.ShapeDtypeStruct((N, S), jnp.int32),
            jax.ShapeDtypeStruct((N, S), jnp.bool_),
        ],
        compiler_params=pltpu.CompilerParams(
            dimension_semantics=("parallel",),
        ),
        interpret=interpret,
    )(rays, radii2d)
    return out.reshape(N, S, 7), depth, idx, mask

# --- scband reference (transcript-rebuilt; emitter-appended) ---
"""Pipeline reference for scband-radial-subdivision-88536455839950 (READ-ONLY COPY).

The authoritative reference and input builder live on the scoring server;
editing this copy changes nothing except your own understanding.
"""

import jax, jax.numpy as jnp
import numpy as np

N = 65536
S = 128
NEAR = 0.1
FAR = 8.0


def intersect_sphere(o, d, r):
    # origin-centered sphere intersection (far root), matching the
    # conventional NeRF-style intersect_sphere helper used by the module.
    a = jnp.sum(d * d, axis=-1)
    b = jnp.sum(o * d, axis=-1)
    c = jnp.sum(o * o, axis=-1) - r * r
    disc = b * b - a * c
    sq = jnp.sqrt(jnp.maximum(disc, 0.0))
    t = (-b + sq) / a
    return o + t[..., None] * d


def setup_inputs(seed: int = 0) -> dict:
    key = jax.random.key(seed)
    rays = jax.random.normal(key, (N, 6), dtype=jnp.float32)
    # radii buffer from __init__: torch.linspace(near, far, num_slices)
    radii = jnp.linspace(NEAR, FAR, S, dtype=jnp.float32)
    return {"rays": rays, "radii": radii}


def _intersect(rays, radii):
    n = rays.shape[0]
    s = radii.shape[0]
    o = jnp.broadcast_to(rays[:, None, 0:3], (n, s, 3))
    d = jnp.broadcast_to(rays[:, None, 3:6], (n, s, 3))
    r = jnp.broadcast_to(radii[None, :], (n, s))
    isect_pts = intersect_sphere(o, d, r)
    isect_depth = jnp.linalg.norm(o - isect_pts, axis=-1)
    sort_idx = jnp.argsort(isect_depth, axis=-1)
    isect_depth = jnp.take_along_axis(isect_depth, sort_idx, axis=-1)
    isect_pts = jnp.take_along_axis(isect_pts, sort_idx[..., None], axis=1)
    isect_idx = jnp.where(isect_depth < 0, -1, 1).astype(jnp.int32)
    return isect_pts, isect_depth, isect_idx


def _process_intersect(rays, radii, pts, idx):
    mask = idx == -1
    idx_c = jnp.where(mask, 0, idx)
    radii_full = jnp.broadcast_to(radii[None, :], idx.shape)
    radii_g = jnp.take_along_axis(radii_full, idx_c, axis=-1)
    isect_pts = rays[:, None, 0:3] / radii_g[..., None]
    pts_out = jnp.where(mask[..., None], pts, isect_pts)
    dirs = jnp.broadcast_to(rays[:, None, 3:6], pts_out.shape)
    rays_out = jnp.concatenate([pts_out, dirs], axis=-1)
    return rays_out, radii_g


def reference(rays, radii):
    # forward(): intersect under torch.no_grad() -> stop_gradient
    pts, depth, idx = jax.lax.stop_gradient(_intersect(rays, radii))
    isect_rays, isect_centers = _process_intersect(rays, radii, pts, idx)
    out = jnp.concatenate([isect_rays, isect_centers[..., None]], axis=-1)
    return out, depth, idx, (idx == -1)

if __name__ == "__main__":
    import jax
    _d = setup_inputs()
    print(jax.jit(kernel)(*tuple(_d.values())))

</pallas_src>

<mosaic_0001>
module attributes {stable_mosaic.version = 14 : i64} {
  func.func @_body(%arg0: i32, %arg1: memref<1024x6xf32, #tpu.memory_space<vmem>>, %arg2: memref<1x128xf32, #tpu.memory_space<vmem>>, %arg3: memref<1024x896xf32, #tpu.memory_space<vmem>>, %arg4: memref<1024x128xf32, #tpu.memory_space<vmem>>, %arg5: memref<1024x128xi32, #tpu.memory_space<vmem>>, %arg6: memref<1024x128xi32, #tpu.memory_space<vmem>>) attributes {dimension_semantics = [#tpu.dimension_semantics<parallel>], iteration_bounds = array<i64: 64>, scalar_prefetch = 0 : i64, scratch_operands = 0 : i64, tpu.core_type = #tpu.core_type<tc>, window_params = [{transform_indices = @transform_0, window_bounds = array<i64: 1024, 6>}, {pipeline_mode = #tpu.pipeline_mode<synchronous>, transform_indices = @transform_1, window_bounds = array<i64: 1, 128>}, {transform_indices = @transform_2, window_bounds = array<i64: 1024, 896>}, {transform_indices = @transform_3, window_bounds = array<i64: 1024, 128>}, {transform_indices = @transform_4, window_bounds = array<i64: 1024, 128>}, {transform_indices = @transform_5, window_bounds = array<i64: 1024, 128>}]} {
    %get3A = arith.constant 0 : index
    %get3A_0 = arith.constant 0 : index
    %get3A_1 = vector.load %arg1[%get3A, %get3A_0] : memref<1024x6xf32, #tpu.memory_space<vmem>>, vector<1024x6xf32>
    %slice3A = vector.extract_strided_slice %get3A_1 {offsets = [0, 0], sizes = [1024, 3], strides = [1, 1]} : vector<1024x6xf32> to vector<1024x3xf32>
    %slice3A_2 = vector.extract_strided_slice %get3A_1 {offsets = [0, 3], sizes = [1024, 3], strides = [1, 1]} : vector<1024x6xf32> to vector<1024x3xf32>
    %mul3A = arith.mulf %slice3A_2, %slice3A_2 : vector<1024x3xf32>
    %reduce_sum3A = arith.constant dense<0.000000e+00> : vector<1024xf32>
    %reduce_sum3A_3 = vector.multi_reduction <add>, %mul3A, %reduce_sum3A [1] : vector<1024x3xf32> to vector<1024xf32>
    %broadcast_in_dim3A = vector.shape_cast %reduce_sum3A_3 : vector<1024xf32> to vector<1024x1xf32>
    %mul3A_4 = arith.mulf %slice3A, %slice3A_2 : vector<1024x3xf32>
    %reduce_sum3A_5 = arith.constant dense<0.000000e+00> : vector<1024xf32>
    %reduce_sum3A_6 = vector.multi_reduction <add>, %mul3A_4, %reduce_sum3A_5 [1] : vector<1024x3xf32> to vector<1024xf32>
    %broadcast_in_dim3A_7 = vector.shape_cast %reduce_sum3A_6 : vector<1024xf32> to vector<1024x1xf32>
    %mul3A_8 = arith.mulf %slice3A, %slice3A : vector<1024x3xf32>
    %reduce_sum3A_9 = arith.constant dense<0.000000e+00> : vector<1024xf32>
    %reduce_sum3A_10 = vector.multi_reduction <add>, %mul3A_8, %reduce_sum3A_9 [1] : vector<1024x3xf32> to vector<1024xf32>
    %broadcast_in_dim3A_11 = vector.shape_cast %reduce_sum3A_10 : vector<1024xf32> to vector<1024x1xf32>
    %get3A_12 = arith.constant 0 : index
    %get3A_13 = arith.constant 0 : index
    %get3A_14 = vector.load %arg2[%get3A_12, %get3A_13] : memref<1x128xf32, #tpu.memory_space<vmem>>, vector<1x128xf32>
    %mul3A_15 = arith.mulf %broadcast_in_dim3A_7, %broadcast_in_dim3A_7 : vector<1024x1xf32>
    %mul3A_16 = arith.mulf %get3A_14, %get3A_14 : vector<1x128xf32>
    %sub3A = vector.broadcast %broadcast_in_dim3A_11 : vector<1024x1xf32> to vector<1024x128xf32>
    %sub3A_17 = vector.broadcast %mul3A_16 : vector<1x128xf32> to vector<1024x128xf32>
    %sub3A_18 = arith.subf %sub3A, %sub3A_17 : vector<1024x128xf32>
    %mul3A_19 = vector.broadcast %broadcast_in_dim3A : vector<1024x1xf32> to vector<1024x128xf32>
    %mul3A_20 = arith.mulf %mul3A_19, %sub3A_18 : vector<1024x128xf32>
    %sub3A_21 = vector.broadcast %mul3A_15 : vector<1024x1xf32> to vector<1024x128xf32>
    %sub3A_22 = arith.subf %sub3A_21, %mul3A_20 : vector<1024x128xf32>
    %max3A = arith.constant 0.000000e+00 : f32
    %max3A_23 = vector.broadcast %max3A : f32 to vector<1024x128xf32>
    %max3A_24 = arith.maximumf %sub3A_22, %max3A_23 : vector<1024x128xf32>
    %sqrt3A = math.sqrt %max3A_24 : vector<1024x128xf32>
    %sub3A_25 = vector.broadcast %broadcast_in_dim3A_7 : vector<1024x1xf32> to vector<1024x128xf32>
    %sub3A_26 = arith.subf %sqrt3A, %sub3A_25 : vector<1024x128xf32>
    %div3A = vector.broadcast %broadcast_in_dim3A : vector<1024x1xf32> to vector<1024x128xf32>
    %div3A_27 = arith.divf %sub3A_26, %div3A : vector<1024x128xf32>
    %abs3A = math.absf %div3A_27 : vector<1024x128xf32>
    %sqrt3A_28 = math.sqrt %broadcast_in_dim3A : vector<1024x1xf32>
    %mul3A_29 = vector.broadcast %sqrt3A_28 : vector<1024x1xf32> to vector<1024x128xf32>
    %mul3A_30 = arith.mulf %abs3A, %mul3A_29 : vector<1024x128xf32>
    %iota3A = tpu.iota {dimensions = array<i32: 1>} : vector<1024x128xi32>
    %and3A = arith.constant 64 : i32
    %and3A_31 = vector.broadcast %and3A : i32 to vector<1024x128xi32>
    %and3A_32 = arith.andi %iota3A, %and3A_31 : vector<1024x128xi32>
    %ne3A = arith.constant 0 : i32
    %ne3A_33 = vector.broadcast %ne3A : i32 to vector<1024x128xi32>
    %ne3A_34 = arith.cmpi ne, %and3A_32, %ne3A_33 : vector<1024x128xi32>
    %roll3A = arith.constant 64 : i32
    %roll3A_35 = tpu.dynamic_rotate %mul3A_30 by %roll3A dim 1 : vector<1024x128xf32>, i32 -> vector<1024x128xf32>
    %roll3A_36 = arith.constant 64 : i32
    %roll3A_37 = tpu.dynamic_rotate %mul3A_30 by %roll3A_36 dim 1 : vector<1024x128xf32>, i32 -> vector<1024x128xf32>
    %select_n3A = arith.select %ne3A_34, %roll3A_35, %roll3A_37 : vector<1024x128xi1>, vector<1024x128xf32>
    %max3A_38 = arith.maximumf %mul3A_30, %select_n3A : vector<1024x128xf32>
    %min3A = arith.minimumf %mul3A_30, %select_n3A : vector<1024x128xf32>
    %select_n3A_39 = arith.select %ne3A_34, %max3A_38, %min3A : vector<1024x128xi1>, vector<1024x128xf32>
    %and3A_40 = arith.constant 32 : i32
    %and3A_41 = vector.broadcast %and3A_40 : i32 to vector<1024x128xi32>
    %and3A_42 = arith.andi %iota3A, %and3A_41 : vector<1024x128xi32>
    %ne3A_43 = arith.constant 0 : i32
    %ne3A_44 = vector.broadcast %ne3A_43 : i32 to vector<1024x128xi32>
    %ne3A_45 = arith.cmpi ne, %and3A_42, %ne3A_44 : vector<1024x128xi32>
    %roll3A_46 = arith.constant 32 : i32
    %roll3A_47 = tpu.dynamic_rotate %select_n3A_39 by %roll3A_46 dim 1 : vector<1024x128xf32>, i32 -> vector<1024x128xf32>
    %roll3A_48 = arith.constant 96 : i32
    %roll3A_49 = tpu.dynamic_rotate %select_n3A_39 by %roll3A_48 dim 1 : vector<1024x128xf32>, i32 -> vector<1024x128xf32>
    %select_n3A_50 = arith.select %ne3A_45, %roll3A_47, %roll3A_49 : vector<1024x128xi1>, vector<1024x128xf32>
    %max3A_51 = arith.maximumf %select_n3A_39, %select_n3A_50 : vector<1024x128xf32>
    %min3A_52 = arith.minimumf %select_n3A_39, %select_n3A_50 : vector<1024x128xf32>
    %select_n3A_53 = arith.select %ne3A_45, %max3A_51, %min3A_52 : vector<1024x128xi1>, vector<1024x128xf32>
    %and3A_54 = arith.constant 16 : i32
    %and3A_55 = vector.broadcast %and3A_54 : i32 to vector<1024x128xi32>
    %and3A_56 = arith.andi %iota3A, %and3A_55 : vector<1024x128xi32>
    %ne3A_57 = arith.constant 0 : i32
    %ne3A_58 = vector.broadcast %ne3A_57 : i32 to vector<1024x128xi32>
    %ne3A_59 = arith.cmpi ne, %and3A_56, %ne3A_58 : vector<1024x128xi32>
    %roll3A_60 = arith.constant 16 : i32
    %roll3A_61 = tpu.dynamic_rotate %select_n3A_53 by %roll3A_60 dim 1 : vector<1024x128xf32>, i32 -> vector<1024x128xf32>
    %roll3A_62 = arith.constant 112 : i32
    %roll3A_63 = tpu.dynamic_rotate %select_n3A_53 by %roll3A_62 dim 1 : vector<1024x128xf32>, i32 -> vector<1024x128xf32>
    %select_n3A_64 = arith.select %ne3A_59, %roll3A_61, %roll3A_63 : vector<1024x128xi1>, vector<1024x128xf32>
    %max3A_65 = arith.maximumf %select_n3A_53, %select_n3A_64 : vector<1024x128xf32>
    %min3A_66 = arith.minimumf %select_n3A_53, %select_n3A_64 : vector<1024x128xf32>
    %select_n3A_67 = arith.select %ne3A_59, %max3A_65, %min3A_66 : vector<1024x128xi1>, vector<1024x128xf32>
    %and3A_68 = arith.constant 8 : i32
    %and3A_69 = vector.broadcast %and3A_68 : i32 to vector<1024x128xi32>
    %and3A_70 = arith.andi %iota3A, %and3A_69 : vector<1024x128xi32>
    %ne3A_71 = arith.constant 0 : i32
    %ne3A_72 = vector.broadcast %ne3A_71 : i32 to vector<1024x128xi32>
    %ne3A_73 = arith.cmpi ne, %and3A_70, %ne3A_72 : vector<1024x128xi32>
    %roll3A_74 = arith.constant 8 : i32
    %roll3A_75 = tpu.dynamic_rotate %select_n3A_67 by %roll3A_74 dim 1 : vector<1024x128xf32>, i32 -> vector<1024x128xf32>
    %roll3A_76 = arith.constant 120 : i32
    %roll3A_77 = tpu.dynamic_rotate %select_n3A_67 by %roll3A_76 dim 1 : vector<1024x128xf32>, i32 -> vector<1024x128xf32>
    %select_n3A_78 = arith.select %ne3A_73, %roll3A_75, %roll3A_77 : vector<1024x128xi1>, vector<1024x128xf32>
    %max3A_79 = arith.maximumf %select_n3A_67, %select_n3A_78 : vector<1024x128xf32>
    %min3A_80 = arith.minimumf %select_n3A_67, %select_n3A_78 : vector<1024x128xf32>
    %select_n3A_81 = arith.select %ne3A_73, %max3A_79, %min3A_80 : vector<1024x128xi1>, vector<1024x128xf32>
    %and3A_82 = arith.constant 4 : i32
    %and3A_83 = vector.broadcast %and3A_82 : i32 to vector<1024x128xi32>
    %and3A_84 = arith.andi %iota3A, %and3A_83 : vector<1024x128xi32>
    %ne3A_85 = arith.constant 0 : i32
    %ne3A_86 = vector.broadcast %ne3A_85 : i32 to vector<1024x128xi32>
    %ne3A_87 = arith.cmpi ne, %and3A_84, %ne3A_86 : vector<1024x128xi32>
    %roll3A_88 = arith.constant 4 : i32
    %roll3A_89 = tpu.dynamic_rotate %select_n3A_81 by %roll3A_88 dim 1 : vector<1024x128xf32>, i32 -> vector<1024x128xf32>
    %roll3A_90 = arith.constant 124 : i32
    %roll3A_91 = tpu.dynamic_rotate %select_n3A_81 by %roll3A_90 dim 1 : vector<1024x128xf32>, i32 -> vector<1024x128xf32>
    %select_n3A_92 = arith.select %ne3A_87, %roll3A_89, %roll3A_91 : vector<1024x128xi1>, vector<1024x128xf32>
    %max3A_93 = arith.maximumf %select_n3A_81, %select_n3A_92 : vector<1024x128xf32>
    %min3A_94 = arith.minimumf %select_n3A_81, %select_n3A_92 : vector<1024x128xf32>
    %select_n3A_95 = arith.select %ne3A_87, %max3A_93, %min3A_94 : vector<1024x128xi1>, vector<1024x128xf32>
    %and3A_96 = arith.constant 2 : i32
    %and3A_97 = vector.broadcast %and3A_96 : i32 to vector<1024x128xi32>
    %and3A_98 = arith.andi %iota3A, %and3A_97 : vector<1024x128xi32>
    %ne3A_99 = arith.constant 0 : i32
    %ne3A_100 = vector.broadcast %ne3A_99 : i32 to vector<1024x128xi32>
    %ne3A_101 = arith.cmpi ne, %and3A_98, %ne3A_100 : vector<1024x128xi32>
    %roll3A_102 = arith.constant 2 : i32
    %roll3A_103 = tpu.dynamic_rotate %select_n3A_95 by %roll3A_102 dim 1 : vector<1024x128xf32>, i32 -> vector<1024x128xf32>
    %roll3A_104 = arith.constant 126 : i32
    %roll3A_105 = tpu.dynamic_rotate %select_n3A_95 by %roll3A_104 dim 1 : vector<1024x128xf32>, i32 -> vector<1024x128xf32>
    %select_n3A_106 = arith.select %ne3A_101, %roll3A_103, %roll3A_105 : vector<1024x128xi1>, vector<1024x128xf32>
    %max3A_107 = arith.maximumf %select_n3A_95, %select_n3A_106 : vector<1024x128xf32>
    %min3A_108 = arith.minimumf %select_n3A_95, %select_n3A_106 : vector<1024x128xf32>
    %select_n3A_109 = arith.select %ne3A_101, %max3A_107, %min3A_108 : vector<1024x128xi1>, vector<1024x128xf32>
    %and3A_110 = arith.constant 1 : i32
    %and3A_111 = vector.broadcast %and3A_110 : i32 to vector<1024x128xi32>
    %and3A_112 = arith.andi %iota3A, %and3A_111 : vector<1024x128xi32>
    %ne3A_113 = arith.constant 0 : i32
    %ne3A_114 = vector.broadcast %ne3A_113 : i32 to vector<1024x128xi32>
    %ne3A_115 = arith.cmpi ne, %and3A_112, %ne3A_114 : vector<1024x128xi32>
    %roll3A_116 = arith.constant 1 : i32
    %roll3A_117 = tpu.dynamic_rotate %select_n3A_109 by %roll3A_116 dim 1 : vector<1024x128xf32>, i32 -> vector<1024x128xf32>
    %roll3A_118 = arith.constant 127 : i32
    %roll3A_119 = tpu.dynamic_rotate %select_n3A_109 by %roll3A_118 dim 1 : vector<1024x128xf32>, i32 -> vector<1024x128xf32>
    %select_n3A_120 = arith.select %ne3A_115, %roll3A_117, %roll3A_119 : vector<1024x128xi1>, vector<1024x128xf32>
    %max3A_121 = arith.maximumf %select_n3A_109, %select_n3A_120 : vector<1024x128xf32>
    %min3A_122 = arith.minimumf %select_n3A_109, %select_n3A_120 : vector<1024x128xf32>
    %select_n3A_123 = arith.select %ne3A_115, %max3A_121, %min3A_122 : vector<1024x128xi1>, vector<1024x128xf32>
    %swap3A = arith.constant 0 : index
    %swap3A_124 = arith.constant 0 : index
    %swap3A_125 = vector.load %arg4[%swap3A, %swap3A_124] : memref<1024x128xf32, #tpu.memory_space<vmem>>, vector<1024x128xf32>
    tpu.vector_store %arg4[%swap3A, %swap3A_124], %select_n3A_123 {strides = array<i32>} : memref<1024x128xf32, #tpu.memory_space<vmem>>, vector<1024x128xf32>,
    %get3A_126 = arith.constant 0 : index
    %get3A_127 = arith.constant 1 : index
    %get3A_128 = vector.load %arg2[%get3A_126, %get3A_127] : memref<1x128xf32, #tpu.memory_space<vmem>>, vector<1x1xf32>
    %get3A_129 = vector.extract %get3A_128[0, 0] : f32 from vector<1x1xf32>
    %div3A_130 = vector.broadcast %get3A_129 : f32 to vector<1024x3xf32>
    %div3A_131 = arith.divf %slice3A, %div3A_130 : vector<1024x3xf32>
    %broadcast_in_dim3A_132 = vector.broadcast %get3A_129 : f32 to vector<1024x1xf32>
    %broadcast_in_dim3A_133 = arith.constant 0.000000e+00 : f32
    %broadcast_in_dim3A_134 = vector.broadcast %broadcast_in_dim3A_133 : f32 to vector<1024x1xf32>
    %concatenate3A = tpu.concatenate %div3A_131, %slice3A_2, %broadcast_in_dim3A_132, %broadcast_in_dim3A_134 in 1 : vector<1024x3xf32>, vector<1024x3xf32>, vector<1024x1xf32>, vector<1024x1xf32> -> vector<1024x8xf32>
    %convert_element_type3A = arith.truncf %concatenate3A : vector<1024x8xf32> to vector<1024x8xbf16>
    %convert_element_type3A_135 = arith.extf %convert_element_type3A : vector<1024x8xbf16> to vector<1024x8xf32>
    %sub3A_136 = arith.subf %concatenate3A, %convert_element_type3A_135 : vector<1024x8xf32>
    %convert_element_type3A_137 = arith.truncf %sub3A_136 : vector<1024x8xf32> to vector<1024x8xbf16>
    %iota3A_138 = tpu.iota {dimensions = array<i32: 1>} : vector<8x896xi32>
    %jit3A = arith.constant 7 : i32
    %eq3A = arith.constant 0 : i32
    %eq3A_139 = arith.cmpi eq, %jit3A, %eq3A : i32
    %jit3A_140 = arith.constant 1 : i32
    %select_n3A_141 = arith.select %eq3A_139, %jit3A_140, %jit3A : i32
    %rem3A = vector.broadcast %select_n3A_141 : i32 to vector<8x896xi32>
    %rem3A_142 = arith.remsi %iota3A_138, %rem3A : vector<8x896xi32>
    %ne3A_143 = arith.constant 0 : i32
    %ne3A_144 = vector.broadcast %ne3A_143 : i32 to vector<8x896xi32>
    %ne3A_145 = arith.cmpi ne, %rem3A_142, %ne3A_144 : vector<8x896xi32>
    %lt3A = arith.constant 0 : i32
    %lt3A_146 = vector.broadcast %lt3A : i32 to vector<8x896xi32>
    %lt3A_147 = arith.cmpi slt, %rem3A_142, %lt3A_146 : vector<8x896xi32>
    %lt3A_148 = arith.constant 0 : i32
    %lt3A_149 = arith.cmpi slt, %select_n3A_141, %lt3A_148 : i32
    %ne3A_150 = vector.broadcast %lt3A_149 : i1 to vector<8x896xi1>
    %ne3A_151 = vector.broadcast %ne3A_150 : vector<8x896xi1> to vector<8x896xi1>
    %ne3A_152 = arith.xori %lt3A_147, %ne3A_151 : vector<8x896xi1>
    %and3A_153 = arith.andi %ne3A_152, %ne3A_145 : vector<8x896xi1>
    %add3A = vector.broadcast %select_n3A_141 : i32 to vector<8x896xi32>
    %add3A_154 = arith.addi %rem3A_142, %add3A : vector<8x896xi32>
    %select_n3A_155 = arith.select %and3A_153, %add3A_154, %rem3A_142 : vector<8x896xi1>, vector<8x896xi32>
    %iota3A_156 = tpu.iota {dimensions = array<i32: 0>} : vector<8x896xi32>
    %eq3A_157 = arith.cmpi eq, %select_n3A_155, %iota3A_156 : vector<8x896xi32>
    %convert_element_type3A_158 = arith.extui %eq3A_157 : vector<8x896xi1> to vector<8x896xi32>
    %convert_element_type3A_159 = arith.sitofp %convert_element_type3A_158 : vector<8x896xi32> to vector<8x896xf32>
    %convert_element_type3A_160 = arith.truncf %convert_element_type3A_159 : vector<8x896xf32> to vector<8x896xbf16>
    %dot_general3A = arith.constant dense<0.000000e+00> : vector<1024x896xf32>
    %dot_general3A_161 = tpu.matmul %convert_element_type3A, %convert_element_type3A_160, %dot_general3A {dimension_numbers = #tpu.dot_dimension_numbers<[1], [0], [0], [1], [0, 0, 1, 1], [], []>, transpose_lhs_hint = false} : vector<1024x8xbf16>, vector<8x896xbf16>, vector<1024x896xf32> -> vector<1024x896xf32>
    %dot_general3A_162 = arith.constant dense<0.000000e+00> : vector<1024x896xf32>
    %dot_general3A_163 = tpu.matmul %convert_element_type3A_137, %convert_element_type3A_160, %dot_general3A_162 {dimension_numbers = #tpu.dot_dimension_numbers<[1], [0], [0], [1], [0, 0, 1, 1], [], []>, transpose_lhs_hint = false} : vector<1024x8xbf16>, vector<8x896xbf16>, vector<1024x896xf32> -> vector<1024x896xf32>
    %add3A_164 = arith.addf %dot_general3A_161, %dot_general3A_163 : vector<1024x896xf32>
    %swap3A_165 = arith.constant 0 : index
    %swap3A_166 = arith.constant 0 : index
    %swap3A_167 = vector.load %arg3[%swap3A_165, %swap3A_166] : memref<1024x896xf32, #tpu.memory_space<vmem>>, vector<1024x896xf32>
    tpu.vector_store %arg3[%swap3A_165, %swap3A_166], %add3A_164 {strides = array<i32>} : memref<1024x896xf32, #tpu.memory_space<vmem>>, vector<1024x896xf32>,
    %broadcast_in_dim3A_168 = arith.constant 1 : i32
    %broadcast_in_dim3A_169 = vector.broadcast %broadcast_in_dim3A_168 : i32 to vector<1024x128xi32>
    %swap3A_170 = arith.constant 0 : index
    %swap3A_171 = arith.constant 0 : index
    %swap3A_172 = vector.load %arg5[%swap3A_170, %swap3A_171] : memref<1024x128xi32, #tpu.memory_space<vmem>>, vector<1024x128xi32>
    tpu.vector_store %arg5[%swap3A_170, %swap3A_171], %broadcast_in_dim3A_169 {strides = array<i32>} : memref<1024x128xi32, #tpu.memory_space<vmem>>, vector<1024x128xi32>,
    %broadcast_in_dim3A_173 = arith.constant false
    %broadcast_in_dim3A_174 = vector.broadcast %broadcast_in_dim3A_173 : i1 to vector<1024x128xi1>
    %swap3A_175 = arith.constant 0 : index
    %swap3A_176 = arith.constant 0 : index
    %swap3A_177 = vector.load %arg6[%swap3A_175, %swap3A_176] : memref<1024x128xi32, #tpu.memory_space<vmem>>, vector<1024x128xi32>
    %swap3A_178 = arith.extui %broadcast_in_dim3A_174 : vector<1024x128xi1> to vector<1024x128xi32>
    %swap3A_179 = arith.constant dense<0> : vector<1024x128xi32>
    %swap3A_180 = arith.cmpi ne, %swap3A_177, %swap3A_179 : vector<1024x128xi32>
    tpu.vector_store %arg6[%swap3A_175, %swap3A_176], %swap3A_178 {strides = array<i32>} : memref<1024x128xi32, #tpu.memory_space<vmem>>, vector<1024x128xi32>,
    return
  }
  func.func @transform_0(%arg0: i32) -> (i32, i32) {
    %c0_i32 = arith.constant 0 : i32
    %c0_i32_0 = arith.constant 0 : i32
    return %arg0, %c0_i32 : i32, i32
  }
  func.func @transform_1(%arg0: i32) -> (i32, i32) {
    %c0_i32 = arith.constant 0 : i32
    %c0_i32_0 = arith.constant 0 : i32
    %c0_i32_1 = arith.constant 0 : i32
    return %c0_i32, %c0_i32_0 : i32, i32
  }
  func.func @transform_2(%arg0: i32) -> (i32, i32) {
    %c0_i32 = arith.constant 0 : i32
    %c0_i32_0 = arith.constant 0 : i32
    return %arg0, %c0_i32 : i32, i32
  }
  func.func @transform_3(%arg0: i32) -> (i32, i32) {
    %c0_i32 = arith.constant 0 : i32
    %c0_i32_0 = arith.constant 0 : i32
    return %arg0, %c0_i32 : i32, i32
  }
  func.func @transform_4(%arg0: i32) -> (i32, i32) {
    %c0_i32 = arith.constant 0 : i32
    %c0_i32_0 = arith.constant 0 : i32
    return %arg0, %c0_i32 : i32, i32
  }
  func.func @transform_5(%arg0: i32) -> (i32, i32) {
    %c0_i32 = arith.constant 0 : i32
    %c0_i32_0 = arith.constant 0 : i32
    return %arg0, %c0_i32 : i32, i32
  }
}

</mosaic_0001>

<sc_bundles>
// kernel: sparse-core-data-format-call.cloned.1.call-start
scs
called_computation_lowered:
.L_overlay_start_0:
0x0: {  	s2 =	sld [smem:$0x3FD9]  }
0x1: {  	s3 =	sld [smem:$0x3FFE];
	_ =	sdelay $0x1  }
0x2: {  	s1 =	srdreg.scid  }
0x3: {  	s0 =	sand.u32 $0x1, s1  }
0x4: {  	s15 =	sshll.u32 s0, $0xA;
	s2 =	sadd.s32 s3, s2  }
0x5: {  	s2 =	sadd.s32 s2, s15  }
0x6: {  	[smem:$0x3FC6] =	sst s2  }
0x7: {  	_ = 	snop  }
0x8: {  	s2 =	sld [smem:$0x3FD0];
	_ =	sdelay $0x2  }
0x9: {  	s16 =	simm.s32 $0xA;
	s4 =	simm.s32 $0x10  }
0xa: {  	[smem:s4], [sflag:s16] =	dma.local [hbm:s2], $0x1  }
0xb: {  	_ =	swait.eq [sflag:s16], $0x1  }
0xc: {  	[sflag:s16] =	ssyncset.done $0x0  }
0xd: {  	[sflag:s16] =	ssyncadd.s32 $0xFFFFFFFF  }
0xe: {  	s17 =	sld [smem:$0x10];
	(tm) =	ssettm $0x1  }
0xf: {  	s18 =	sld [smem:$0x3FFB];
	_ =	sdelay $0x3  }
0x10: {  	_ =	strace s18  }
0x11: {  	s3 =	sld [smem:$0x3FFC];
	_ =	sdelay $0x3  }
0x12: {  	_ =	strace s3  }
0x13: {  	s3 =	sld [smem:$0x3FFD];
	_ =	sdelay $0x3  }
0x14: {  	_ =	strace s3  }
0x15: {  	_ =	strace $0x8FFFFFFF  }
0x16: {  	s19 =	sld [smem:$0x3FDB];
	_ =	sdelay $0x1  }
0x17: {  	s20 =	simm.s32 $_scs_section_size  }
0x18: {  	s5 =	simm.s32 $_size__tile_overlayer_lowered;
	s6 =	simm.s32 $_tile_overlayer_lowered  }
0x19: {  	s23 =	simm.s32 $0x1BFF;
	s22 =	sshll.u32 s6, $0x1;
	s3 =	sadd.s32 s20, s19  }
0x1a: {  	s7 =	simm.s32 $0x0;
	s21 =	sshll.u32 s5, $0x1;
	s5 =	sadd.s32 s22, s3  }
0x1b: {  	[timem:s7], [sflag:s23] =	dma.local [hbm:s5], s21  }
0x1c: {  	_ =	swait.ge [sflag:s23], s21  }
0x1d: {  	s4 =	ssub.s32 $0x0, s21;
	[sflag:s23] =	ssyncset.done $0x0  }
0x1e: {  	[sflag:s23] =	ssyncadd.s32 s4;
	_ =	sdelay $0x1  }
0x1f: {  	s24 =	simm.s32 $0x1B8B  }
0x20: {  	_ =	swait.ge [sflag:s24], $0x1  }
0x21: {  	[sflag:s24] =	ssyncset.done $0x0  }
0x22: {  	s26 =	simm.s32 $0x1B8E;
	s25 =	sld [smem:$0x3FFE];
	[sflag:s24] =	ssyncadd.s32 $0xFFFFFFFF  }
0x23: {  	s27 =	simm.s32 $execute0_lowered;
	[smem:$0x3FD2] =	sst s26  }
0x24: {  	s5 =	sshll.u32 s27, $0x1;
	_ =	strace $0x80000046;
	[dreg:$0x1] =	wrdreg $0xFFFFFFFF  }
0x25: {  	s28 =	simm.s32 $_size_execute0_lowered;
	s3 =	sadd.s32 s3, s5;
	[dreg:$0x0] =	wrdreg $0x0  }
0x26: {  	s5 =	sshll.u32 s28, $0x1;
	[dreg:$0x2] =	wrdreg s3  }
0x27: {  	[dreg:$0x3] =	wrdreg s5  }
0x28: {  	[dreg:$0x4] =	wrdreg $0xC0  }
0x29: {  	_ =	task [dreg:s7], $0x5FFFF  }
0x2a: {  	[dreg:$0x1] =	wrdreg $0xFFFFFFFF  }
0x2b: {  	[dreg:$0x0] =	wrdreg $0x60  }
0x2c: {  	[dreg:$0x2] =	wrdreg s25  }
0x2d: {  	[dreg:$0x3] =	wrdreg s17  }
0x2e: {  	[dreg:$0x4] =	wrdreg $0x9  }
0x2f: {  	_ =	task.clear_ibuf [dreg:s7], $0x5FFFF;
	_ =	strace $0x90000046  }
0x30: {  	s29 =	simm.s32 $0x9;
	_ =	strace $0x80000048  }
0x31: {  	_ =	swait.ge [sflag:s29], $0x1  }
0x32: {  	[sflag:s29] =	ssyncadd.s32 $0xFFFFFFFF  }
0x33: {  	_ =	strace $0x90000048  }
0x34: {  	_ =	sfence  }
0x35: {  	s30 =	sld [smem:$0x0];
	_ =	sdelay $0x2  }
0x36: {  	s31 =	sshll.u32 s1, $0xD;
	s1 =	sshrl.u32 s1, $0x2  }
0x37: {  	s3 =	sand.u32 $0x4000, s31;
	s1 =	sadd.s32 s1, s30  }
0x38: {  	s0 =	sor.u32 s3, s0;
	s1 =	sshll.u32 s1, $0x11  }
0x39: {  	s0 =	sor.u32 s1, s0  }
0x3a: {  	s0 =	sadd.s32 $0x8F2B, s0  }
0x3b: {  	[sflag:s0] =	ssyncadd.remote.s32 $0x1  }
0x3c: {  	_ =	sfence.sel $0xFFFF  }
0x3d: {  	[dreg:$0x0] =	wrdreg $0xFFFFFFFF;
	(pc) =	sbr.abs _section_cstart, $3  }
0x3e: {  	[dreg:$0x1] =	wrdreg $0xFFFFFFFF  }
0x3f: {  	_ =	task.clear_ibuf [dreg:s7], $0x2FFFF;
	_ =	strace $0x9FFFFFFF  }
0x40: {  	(tm) =	ssettm $0x7FFFFFFF  }
0x41: {  	_ =	shalt  }
tec
execute0_lowered:
.L_overlay_start_1:
0x0: {  	(tag) =	ssettag $0x1  }
0x1: {  	s0 =	srdreg.scid  }
0x2: {  	s1 =	sshll.u32 s0, $0x4  }
0x3: {  	s0 =	stileid.u32;
	s1 =	sand.u32 $0x10, s1  }
0x4: {  	s6 =	rddreg [dreg:$0x0];
	s1 =	sor.u32 s0, s1  }
0x5: {  	s4 =	simm.s32 $0x1;
	s7 =	simm.s32 $0x2;
	s2 =	sshll.u32 s1, $0x7  }
0x6: {  	s14 =	simm.s32 $0x0;
	s13 =	simm.s32 $0x0;
	s1 =	ssub.s32 $0x10000, s2  }
0x7: {  	s12 =	simm.s32 $0x0;
	s9 =	simm.s32 $0x0;
	s3 =	sand.u32 $0xF80, s1  }
0x8: {  	s10 =	simm.s32 $0x0;
	s5 =	sshrl.u32 s1, $0xC;
	p0 =	sne.s32 s3, $0x0  }
.Ltmp0:
0x9: {  	s1 =	rddreg [dreg:$0x2];
	s4 =	simm.s32 @!p0 $0x0;
	(pc) =	sbr.rel .LBB1_1-.Ltmp0, $4  }
0xa: {  	s11 =	simm.s32 $0x0;
	s3 =	rddreg [dreg:$0x1];
	s5 =	sadd.s32 s4, s5  }
0xb: {  	_ =	strace $0x80000047;
	s4 =	simm.s32 $0x1;
	s5 =	smul.u32 $0x7, s5  }
0xc: {  	s6 =	sadd.s32 $0x900800, s6;
	s8 =	smov.u32 s2;
	[sflag:s4] =	ssyncpa.u1 $0x0  }
0xd: {  	p0 =	por $0x0, $0x0;
	[sflag:s7] =	ssyncpa.u1 $0x0;
	s7 =	sadd.s32 $0x1, s5  }
.LBB1_4:
0xe: {  	v5 =	vld [tilespmem:s18+$0xFFFFFFD0];
	[tilespmem:s17+$0x2040 ss:$0x81] =	vst.msk $0xffff, v1  }
0xf: {  	v58 =	vld [tilespmem:s18+$0xFFFFFFE0];
	[tilespmem:s17+$0x2850 ss:$0x81] =	vst.msk $0xffff, v2  }
0x10: {  	s19 =	sshra.s32 s19, $0x2;
	v59 =	vld [tilespmem:s18+$0xFFFFFFF0];
	[tilespmem:s17+$0x3060 ss:$0x81] =	vst.msk $0xffff, v3  }
0x11: {  	v60 =	vld [tilespmem:s18+$0x0];
	[tilespmem:s17+$0x0 ss:$0x81] =	vst.msk $0xffff, v0;
	s16 =	sadd.s32 s19, s16  }
0x12: {  	v61 =	vld [tilespmem:s18+$0x10];
	[tilespmem:s16+$0x3870 ss:$0x81] =	vst.msk $0xffff, v4  }
0x13: {  	v62 =	vld [tilespmem:s18+$0x20];
	s14 =	sshll.u32 s14, $0x7;
	s28 =	sshll.u32 s12, $0x3;
	[tilespmem:s16+$0x810 ss:$0x81] =	vst.msk $0xffff, v5  }
0x14: {  	v63 =	vld [tilespmem:s18+$0xFFFFFFC0];
	s29 =	sand.u32 $0x7FFC00, s14;
	s17 =	sand.u32 $0x7FFC00, s28;
	[tilespmem:s16+$0x1020 ss:$0x81] =	vst.msk $0xffff, v58  }
0x15: {  	s14 =	sand.u32 $0x380, s14;
	s17 =	sadd.s32 s17, s29;
	[tilespmem:s16+$0x1830 ss:$0x81] =	vst.msk $0xffff, v59  }
0x16: {  	s13 =	sshll.u32 s13, $0x14;
	s30 =	sshrl.u32 s12, $0x3;
	s14 =	sor.u32 s14, s17;
	[tilespmem:s16+$0x2040 ss:$0x81] =	vst.msk $0xffff, v60  }
0x17: {  	s13 =	sadd.s32 s3, s13;
	s17 =	sand.u32 $0xF, s30;
	s14 =	sshrl.u32 s14, $0x3;
	[tilespmem:s16+$0x2850 ss:$0x81] =	vst.msk $0xffff, v61  }
0x18: {  	s13 =	sadd.s32 s17, s13;
	[tilespmem:s16+$0x3060 ss:$0x81] =	vst.msk $0xffff, v62;
	s14 =	sand.u32 $0xFFFF0, s14  }
0x19: {  	s31 =	sand.u32 $0x7, s12;
	[tilespmem:s16+$0x0 ss:$0x81] =	vst.msk $0xffff, v63;
	s13 =	sadd.s32 s14, s13  }
0x1a: {  	[hbm4b:s13+s31] =	stream.linear.scatter [tilespmem:s15], [sflag:$0x2], $0x4000, $0x20;
	[tilespmem:$0x10100] =	vst v63  }
.LBB1_5:
0x1b: {  	s15 =	sadd.s32 $0x1000, s8  }
0x1c: {  	s12 =	simm.s32 $0x1;
	p2 =	sgt.s32 s15, $0xFFFF  }
0x1d: {  	s12 =	simm.s32 @!p2 $0x0  }
0x1e: {  	s16 =	sadd.s32 s12, s9  }
0x1f: {  	s18 =	smov.u32 s10;
	s12 =	sadd.s32 $0x80, s10;
	p3 =	sgt.s32 s16, $0x6  }
0x20: {  	s18 =	smov.u32 @p3 s12  }
0x21: {  	s15 =	smov.u32 @p2 s2;
	p2 =	sgt.s32 s18, $0x7F  }
0x22: {  	p1 =	slt.u32 s11, $0x2;
	s18 =	simm.s32 @p2 $0x0;
	p2 =	sne.s32 s11, s7  }
.Ltmp1:
0x23: {  	s17 =	simm.s32 @!p1 $0x2;
	(pc) =	sbr.rel @!p2 .LBB1_6-.Ltmp1, $4  }
0x24: {  	s14 =	smov.u32 s8;
	s13 =	smov.u32 s9;
	_ =	swait.ge @!p1 [sflag:s17], $0x4000  }
0x25: {  	p0 =	por !p0, !p0;
	[sflag:s17] =	ssyncset.done @!p1 $0x0;
	s8 =	smov.u32 s15  }
0x26: {  	[sflag:s17] =	ssyncadd.s32 @!p1 $0xFFFFC000;
	s16 =	simm.s32 @p3 $0x0;
	s12 =	smov.u32 s10  }
0x27: {  	s9 =	smov.u32 s16;
	s11 =	sadd.s32 $0x1, s11;
	s10 =	smov.u32 s18  }
.LBB1_1:
0x28: {  	p1 =	sge.u32 s11, s5  }
0x29: {  	s31 =	sadd.s32 $0xFFFFFFFF, s11;
	s15 =	sxor.u32 @!p1 $0xFFFFFFFF, s11;
	s16 =	sshll.u32 @!p1 s9, $0x7  }
0x2a: {  	s17 =	sand.u32 @!p1 $0x78, s8;
	s18 =	sshll.u32 @!p1 s8, $0x3;
	s16 =	sand.u32 @!p1 $0x380, s16  }
0x2b: {  	s18 =	sand.u32 @!p1 $0xFC00, s18;
	s16 =	sor.u32 @!p1 s16, s17;
	s17 =	sshll.u32 @!p1 s10, $0x10  }
0x2c: {  	s16 =	sor.u32 @!p1 s18, s16;
	s18 =	sand.u32 @!p1 $0xE000, s8;
	s17 =	sadd.s32 @!p1 s6, s17  }
0x2d: {  	s15 =	sshll.u32 @!p1 s15, $0xE;
	s17 =	sadd.s32 @!p1 s18, s17;
	s18 =	sand.u32 @!p1 $0x7, s8  }
0x2e: {  	s15 =	sand.u32 @!p1 $0x4000, s15;
	s16 =	sshrl.u32 @!p1 s16, $0x3;
	s18 =	sshll.u32 @!p1 s18, $0x12  }
0x2f: {  	s16 =	sadd.s32 @!p1 s16, s17;
	s17 =	sor.u32 @!p1 $0x80, s18;
	s18 =	simm.s32 @!p1 $0x80000  }
0x30: {  	[tilespmem:s15], [sflag:$0x1] =	stream.strided.gather @!p1 [hbm4b:s16+s17], $0x4000, s18, s17, $0x38;
	[tilespmem:$0x10100] =	vst v63  }
0x31: {  	p1 =	sge.u32 s31, s5  }
.Ltmp2:
0x32: {  	_ = 	snop;
	(pc) =	sbr.rel @p1 .LBB1_5-.Ltmp2, $1  }
0x33: {  	_ =	sdelay $0x3  }
0x34: {  	s15 =	simm.s32 $0x1  }
0x35: {  	_ =	swait.ge [sflag:s4], $0x4000;
	s15 =	simm.s32 @!p0 $0x0  }
0x36: {  	[sflag:s4] =	ssyncset.done $0x0;
	s16 =	sshll.u32 s15, $0xE  }
0x37: {  	[sflag:s4] =	ssyncadd.s32 $0xFFFFC000;
	s18 =	sor.u32 $0x40, s16  }
0x38: {  	s15 =	smul.u32 $0x10200, s15;
	v0 =	vld [tilespmem:s18+$0x30]  }
0x39: {  	v3 =	vld [tilespmem:s18+$0xFFFFFFD0]  }
0x3a: {  	s15 =	sshrl.u32 s15, $0x2;
	v4 =	vld [tilespmem:s18+$0xFFFFFFE0]  }
0x3b: {  	v5 =	vld [tilespmem:s18+$0xFFFFFFF0];
	s16 =	sor.u32 $0x8000, s15  }
0x3c: {  	s31 =	sand.u32 $0x1, s11;
	v1 =	vld [tilespmem:s18+$0x0];
	s17 =	sadd.s32 $0x0, s16  }
0x3d: {  	v2 =	vld [tilespmem:s18+$0x10];
	s15 =	smul.u32 $0x10200, s31;
	[tilespmem:s17+$0x3870 ss:$0x81] =	vst.msk $0xffff, v0  }
0x3e: {  	[tilespmem:s17+$0x810 ss:$0x81] =	vst.msk $0xffff, v3;
	v3 =	vld [tilespmem:s18+$0x20]  }
0x3f: {  	s15 =	sshrl.u32 s15, $0x2;
	v0 =	vld [tilespmem:s18+$0xFFFFFFC0];
	[tilespmem:s17+$0x1020 ss:$0x81] =	vst.msk $0xffff, v4;
	s18 =	sadd.s32 $0x80, s18  }
0x40: {  	s19 =	simm.s32 $0x4;
	s20 =	simm.s32 $0x8;
	s15 =	sor.u32 $0x8000, s15;
	[tilespmem:s17+$0x1830 ss:$0x81] =	vst.msk $0xffff, v5;
	v4 =	vld [tilespmem:s18+$0x30]  }
.LBB1_3:
0x41: {  	p1 =	sne.s32 s20, $0x1FC;
	v5 =	vld [tilespmem:s18+$0xFFFFFFD0];
	[tilespmem:s17+$0x2040 ss:$0x81] =	vst.msk $0xffff, v1  }
0x42: {  	v6 =	vld [tilespmem:s18+$0xFFFFFFE0];
	[tilespmem:s17+$0x2850 ss:$0x81] =	vst.msk $0xffff, v2  }
0x43: {  	s21 =	sshra.s32 s19, $0x2;
	s19 =	smov.u32 s20;
	v7 =	vld [tilespmem:s18+$0xFFFFFFF0];
	[tilespmem:s17+$0x3060 ss:$0x81] =	vst.msk $0xffff, v3  }
.Ltmp3:
0x44: {  	v1 =	vld [tilespmem:s18+$0x0];
	[tilespmem:s17+$0x0 ss:$0x81] =	vst.msk $0xffff, v0;
	s17 =	sadd.s32 s21, s16;
	(pc) =	sbr.rel @p1 .LBB1_3-.Ltmp3, $4  }
0x45: {  	v2 =	vld [tilespmem:s18+$0x10];
	[tilespmem:s17+$0x3870 ss:$0x81] =	vst.msk $0xffff, v4  }
0x46: {  	[tilespmem:s17+$0x810 ss:$0x81] =	vst.msk $0xffff, v5;
	v3 =	vld [tilespmem:s18+$0x20]  }
0x47: {  	v0 =	vld [tilespmem:s18+$0xFFFFFFC0];
	[tilespmem:s17+$0x1020 ss:$0x81] =	vst.msk $0xffff, v6;
	s18 =	sadd.s32 $0x80, s18  }
0x48: {  	s20 =	sadd.s32 $0x4, s20;
	v4 =	vld [tilespmem:s18+$0x30];
	[tilespmem:s17+$0x1830 ss:$0x81] =	vst.msk $0xffff, v7  }
.Ltmp4:
0x49: {  	_ = 	snop;
	(pc) =	sbr.rel .LBB1_4-.Ltmp4, $1  }
0x4a: {  	_ =	sdelay $0x3  }
.LBB1_6:
0x4b: {  	_ =	sfence.sel $0x180000  }
0x4c: {  	s2 =	simm.s32 $0x1;
	[bflag:$0x0] =	sbarrier.arrive $0xFFFF  }
0x4d: {  	s31 =	simm.s32 $0x2;
	[sflag:s2] =	ssyncpa.u1 $0x1  }
0x4e: {  	[sflag:s31] =	ssyncpa.u1 $0x1  }
0x4f: {  	p0 =	sne.s32 s0, $0x0;
	_ =	strace $0x90000047  }
0x50: {  	s0 =	sadd.s32 @!p0 $0x100000, s1;
	[bflag:$0x2] =	sbarrier.arrive $0xFFFF  }
0x51: {  	[sflag:s0] =	ssyncadd.tile.s32 @!p0 $0x1;
	_ =	shalt  }
.Lfunc_end1:
_tile_overlayer_lowered:
.L_overlay_start_2:
0x52: {  	(tag) =	ssettag $0x2  }
0x53: {  	s0 =	rddreg [dreg:$0x0];
	s2 =	stileid.u32  }
0x54: {  	s1 =	rddreg [dreg:$0x1];
	p0 =	sne.s32 s2, $0x0  }
0x55: {  	s3 =	rddreg [dreg:$0x2];
	[bflag:$0x3] =	sbarrier.arrive $0xFFFF;
	s2 =	simm.s32 @!p0 $0x1C01  }
0x56: {  	[timem:s3], [sflag:s2] =	dma.local @!p0 [hbm:s0], s1  }
0x57: {  	s0 =	simm.s32 @!p0 $0x1  }
0x58: {  	_ =	swait.ge @!p0 [sflag:s0], s1  }
0x59: {  	s1 =	ssub.s32 @!p0 $0x0, s1;
	[sflag:s0] =	ssyncset.done @!p0 $0x0  }
0x5a: {  	[sflag:s0] =	ssyncadd.s32 @!p0 s1  }
0x5b: {  	[bflag:$0x3] =	sbarrier.arrive $0xFFFF  }
0x5c: {  	_ =	shalt  }

</sc_bundles>
